<compile_context>
chip_gen: v7x
topology: tpu7x:2x2x1
jax: 0.10.2.dev20260603
libtpu: 0.0.44.dev20260713+nightly
codegen_flags: <defaults>
</compile_context>

<pallas_src>
import functools

import jax
import jax.numpy as jnp
from jax import lax
from jax.experimental import pallas as pl
from jax.experimental.pallas import tpu as pltpu
from jax.experimental.pallas import tpu_sc as plsc

N_NODES = 10000
N_EDGES = 160000
D_FEAT = 256
D_EDGE = 16
D_GLOBAL = 128

NC = 2
NS = 16
NW = NC * NS
CHUNK = 128
N_CHUNKS = N_EDGES // CHUNK
CHUNKS_FULL = 40
CHUNKS_LAST = N_CHUNKS - (NW - 1) * CHUNKS_FULL
SLAB = CHUNKS_FULL * CHUNK
N_PAD = 10240
ROWS_PER_TILE = N_PAD // NS

LIN_BLK = 6400


def _tc_linearize_edges(edgesT):
    def body(x_ref, o_ref):
        y = x_ref[...].T
        y3 = y.reshape(LIN_BLK // 8, 8, D_EDGE)
        for k in range(8):
            o_ref[:, k * D_EDGE:(k + 1) * D_EDGE] = y3[:, k, :]

    return pl.pallas_call(
        body,
        grid=(N_EDGES // LIN_BLK,),
        in_specs=[pl.BlockSpec((D_EDGE, LIN_BLK), lambda i: (0, i))],
        out_specs=pl.BlockSpec((LIN_BLK // 8, 128), lambda i: (i, 0)),
        out_shape=jax.ShapeDtypeStruct((N_EDGES // 8, 128), jnp.float32),
        compiler_params=pltpu.CompilerParams(
            dimension_semantics=("parallel",)
        ),
    )(edgesT)


def _sc_segment_sum(edges, receivers, zeros):
    mesh = plsc.VectorSubcoreMesh(core_axis_name="c", subcore_axis_name="s")

    @functools.partial(
        pl.kernel,
        out_type=jax.ShapeDtypeStruct((NC, N_PAD, D_EDGE), jnp.float32),
        mesh=mesh,
        scratch_types=[
            pltpu.VMEM((SLAB, D_EDGE), jnp.float32),
            pltpu.VMEM((SLAB,), jnp.int32),
            pltpu.VMEM_SHARED((N_PAD, D_EDGE), jnp.float32),
            pltpu.SemaphoreType.DMA,
            pltpu.SemaphoreType.DMA,
        ],
        compiler_params=pltpu.CompilerParams(use_tc_tiling_on_sc=False),
    )
    def k(edges_hbm, recv_hbm, zeros_hbm, out_hbm, edges_v, idx_v, acc_sh,
          stage_sem, scat_sem):
        c = lax.axis_index("c")
        s = lax.axis_index("s")
        wid = s * NC + c
        is_last = wid == NW - 1
        n_chunks = jnp.where(is_last, CHUNKS_LAST, CHUNKS_FULL)

        zero_cp = pltpu.async_copy(
            zeros_hbm.at[pl.ds(s * ROWS_PER_TILE, ROWS_PER_TILE)],
            acc_sh.at[pl.ds(s * ROWS_PER_TILE, ROWS_PER_TILE)],
            stage_sem,
        )

        @pl.when(jnp.logical_not(is_last))
        def _():
            e_cp = pltpu.async_copy(
                edges_hbm.at[pl.ds(wid * SLAB, SLAB)], edges_v, stage_sem
            )
            i_cp = pltpu.async_copy(
                recv_hbm.at[pl.ds(wid * SLAB, SLAB)], idx_v, stage_sem
            )
            e_cp.wait()
            i_cp.wait()

        @pl.when(is_last)
        def _():
            e_cp = pltpu.async_copy(
                edges_hbm.at[pl.ds(wid * SLAB, CHUNKS_LAST * CHUNK)],
                edges_v.at[pl.ds(0, CHUNKS_LAST * CHUNK)],
                stage_sem,
            )
            i_cp = pltpu.async_copy(
                recv_hbm.at[pl.ds(wid * SLAB, CHUNKS_LAST * CHUNK)],
                idx_v.at[pl.ds(0, CHUNKS_LAST * CHUNK)],
                stage_sem,
            )
            e_cp.wait()
            i_cp.wait()

        zero_cp.wait()

        plsc.subcore_barrier()

        @pl.loop(0, n_chunks)
        def _(j):
            pltpu.async_copy(
                edges_v.at[pl.ds(j * CHUNK, CHUNK)],
                acc_sh.at[idx_v.at[pl.ds(j * CHUNK, CHUNK)]],
                scat_sem,
                add=True,
            )

        @pl.loop(0, n_chunks)
        def _(j):
            pltpu.make_async_copy(
                edges_v.at[pl.ds(j * CHUNK, CHUNK)],
                acc_sh.at[idx_v.at[pl.ds(j * CHUNK, CHUNK)]],
                scat_sem,
            ).wait()

        plsc.subcore_barrier()

        pltpu.sync_copy(
            acc_sh.at[pl.ds(s * ROWS_PER_TILE, ROWS_PER_TILE)],
            out_hbm.at[c, pl.ds(s * ROWS_PER_TILE, ROWS_PER_TILE)],
        )

    return k(edges, receivers, zeros)


BLK = 1000


def _tc_mlp(partials, nodes, globals_, W, b2):
    def body(p_ref, nodes_ref, g_ref, w_ref, b_ref, o_ref):
        agg = p_ref[0] + p_ref[1]
        w = w_ref[...]
        acc = jnp.dot(agg, w[:D_EDGE], preferred_element_type=jnp.float32)
        acc += jnp.dot(nodes_ref[...], w[D_EDGE:D_EDGE + D_FEAT],
                       preferred_element_type=jnp.float32)
        acc += jnp.dot(g_ref[...], w[D_EDGE + D_FEAT:],
                       preferred_element_type=jnp.float32)
        o_ref[...] = jnp.maximum(acc + b_ref[...], 0.0)

    return pl.pallas_call(
        body,
        grid=(N_NODES // BLK,),
        in_specs=[
            pl.BlockSpec((NC, BLK, D_EDGE), lambda i: (0, i, 0)),
            pl.BlockSpec((BLK, D_FEAT), lambda i: (i, 0)),
            pl.BlockSpec((1, D_GLOBAL), lambda i: (0, 0)),
            pl.BlockSpec((D_EDGE + D_FEAT + D_GLOBAL, D_FEAT),
                         lambda i: (0, 0)),
            pl.BlockSpec((1, D_FEAT), lambda i: (0, 0)),
        ],
        out_specs=pl.BlockSpec((BLK, D_FEAT), lambda i: (i, 0)),
        out_shape=jax.ShapeDtypeStruct((N_NODES, D_FEAT), jnp.float32),
        compiler_params=pltpu.CompilerParams(
            dimension_semantics=("parallel",)
        ),
    )(partials, nodes, globals_, W, b2)


def kernel(nodes, edges, receivers, senders, globals_, W, b):
    del senders
    edges_lin = _tc_linearize_edges(edges.T).reshape(N_EDGES, D_EDGE)
    zeros = jnp.zeros((N_PAD, D_EDGE), jnp.float32)
    partials = _sc_segment_sum(edges_lin, receivers, zeros)
    return _tc_mlp(partials, nodes, globals_, W, b.reshape(1, D_FEAT))

# --- scband reference (transcript-rebuilt; emitter-appended) ---
"""Pipeline reference for scband-node-block-19877108646539 (READ-ONLY COPY).

The authoritative reference and input builder live on the scoring server;
editing this copy changes nothing except your own understanding.
"""

import jax, jax.numpy as jnp
import numpy as np

N_NODES = 10000
N_EDGES = 160000
D_FEAT = 256
D_EDGE = 16
D_GLOBAL = 128
D_IN = D_EDGE + D_FEAT + D_GLOBAL  # 400


def setup_inputs(seed: int = 0) -> dict:
    key = jax.random.key(seed)
    ks = jax.random.split(key, 7)
    nodes = jax.random.normal(ks[0], (N_NODES, D_FEAT), dtype=jnp.float32)
    edges = jax.random.normal(ks[1], (N_EDGES, D_EDGE), dtype=jnp.float32)
    receivers = jax.random.randint(ks[2], (N_EDGES,), 0, N_NODES, dtype=jnp.int32)
    senders = jax.random.randint(ks[3], (N_EDGES,), 0, N_NODES, dtype=jnp.int32)
    globals_ = jax.random.normal(ks[4], (1, D_GLOBAL), dtype=jnp.float32)
    # node_model params: Linear(D_IN -> D_FEAT) + ReLU
    W = jax.random.normal(ks[5], (D_IN, D_FEAT), dtype=jnp.float32) * (1.0 / np.sqrt(D_IN))
    b = jnp.zeros((D_FEAT,), dtype=jnp.float32)
    return {"nodes": nodes, "edges": edges, "receivers": receivers, "senders": senders,
            "globals_": globals_, "W": W, "b": b}


def reference(nodes, edges, receivers, senders, globals_, W, b):
    # ReceivedEdgesToNodesAggregator with unsorted_segment_sum:
    # sum edge features into their receiver node slot.
    agg_received = jax.ops.segment_sum(edges, receivers, num_segments=N_NODES)
    # use_sent_edges=False -> senders unused in aggregation
    # broadcast_globals_to_nodes: single graph, tile global features to all nodes
    bcast_globals = jnp.broadcast_to(globals_, (N_NODES, D_GLOBAL))
    # concat order matches forward(): [received_agg, nodes, globals]
    collected = jnp.concatenate([agg_received, nodes, bcast_globals], axis=-1)
    # node_model: Linear + ReLU
    updated_nodes = jax.nn.relu(collected @ W + b)
    return updated_nodes

if __name__ == "__main__":
    import jax
    _d = setup_inputs()
    print(jax.jit(kernel)(*tuple(_d.values())))

</pallas_src>

<mosaic_0001>
#map = affine_map<(d0, d1) -> (0, 0)>
#map1 = affine_map<(d0, d1) -> (0)>
#map2 = affine_map<(d0, d1) -> (0, 0, 0)>
module attributes {stable_mosaic.version = 14 : i64} {
  func.func @k(%arg0: i32, %arg1: i32, %arg2: memref<160000x16xf32, #tpu.memory_space<hbm>>, %arg3: memref<160000xi32, #tpu.memory_space<hbm>>, %arg4: memref<10240x16xf32, #tpu.memory_space<hbm>>, %arg5: memref<2x10240x16xf32, #tpu.memory_space<hbm>>, %arg6: memref<5120x16xf32, #tpu.memory_space<vmem>>, %arg7: memref<5120xi32, #tpu.memory_space<vmem>>, %arg8: memref<10240x16xf32, #tpu.memory_space<vmem_shared>>, %arg9: memref<!tpu.dma_semaphore, #tpu.memory_space<semaphore_mem>>, %arg10: memref<!tpu.dma_semaphore, #tpu.memory_space<semaphore_mem>>) attributes {dimension_semantics = [#tpu.dimension_semantics<core_parallel>, #tpu.dimension_semantics<subcore_parallel>], iteration_bounds = array<i64: 2, 16>, scalar_prefetch = 0 : i64, scratch_operands = 5 : i64, tpu.core_type = #tpu.core_type<sc_vector_subcore>, window_params = [{transform_indices = #map}, {transform_indices = #map1}, {transform_indices = #map}, {transform_indices = #map2}]} {
    %mul3A = arith.constant 2 : i32
    %mul3A_0 = arith.muli %arg1, %mul3A : i32
    %add3A = arith.addi %mul3A_0, %arg0 : i32
    %eq3A = arith.constant 31 : i32
    %eq3A_1 = arith.cmpi eq, %add3A, %eq3A : i32
    %jit3A = arith.constant 10 : i32
    %jit3A_2 = arith.constant 40 : i32
    %select_n3A = arith.select %eq3A_1, %jit3A, %jit3A_2 : i32
    %mul3A_3 = arith.constant 640 : i32
    %mul3A_4 = arith.muli %arg1, %mul3A_3 : i32
    %mul3A_5 = arith.constant 640 : i32
    %mul3A_6 = arith.muli %arg1, %mul3A_5 : i32
    %dma_start3A = arith.constant 0 : i32
    %dma_start3A_7 = tpu.memref_slice %arg8[%mul3A_6, %dma_start3A] : memref<10240x16xf32, #tpu.memory_space<vmem_shared>> -> memref<640x16xf32, #tpu.memory_space<vmem_shared>>
    %dma_start3A_8 = arith.constant 0 : i32
    %dma_start3A_9 = tpu.memref_slice %arg4[%mul3A_4, %dma_start3A_8] : memref<10240x16xf32, #tpu.memory_space<hbm>> -> memref<640x16xf32, #tpu.memory_space<hbm>>
    tpu.enqueue_dma source(%dma_start3A_9 : memref<640x16xf32, #tpu.memory_space<hbm>>) target(%dma_start3A_7 : memref<640x16xf32, #tpu.memory_space<vmem_shared>>) target_semaphore(%arg9 : memref<!tpu.dma_semaphore, #tpu.memory_space<semaphore_mem>>)
    %not3A = arith.constant true
    %not3A_10 = arith.xori %eq3A_1, %not3A : i1
    %convert_element_type3A = arith.extui %not3A_10 : i1 to i32
    %cond3A = arith.constant 0 : i32
    %cond3A_11 = arith.cmpi ne, %convert_element_type3A, %cond3A : i32
    scf.if %cond3A_11 {
      %mul3A_58 = arith.constant 5120 : i32
      %mul3A_59 = arith.muli %add3A, %mul3A_58 : i32
      %dma_start3A_60 = arith.constant 0 : i32
      %dma_start3A_61 = tpu.memref_slice %arg2[%mul3A_59, %dma_start3A_60] : memref<160000x16xf32, #tpu.memory_space<hbm>> -> memref<5120x16xf32, #tpu.memory_space<hbm>>
      %dma_start3A_62 = arith.constant 0 : i32
      %dma_start3A_63 = tpu.memref_slice %arg2[%mul3A_59, %dma_start3A_62] : memref<160000x16xf32, #tpu.memory_space<hbm>> -> memref<5120x16xf32, #tpu.memory_space<hbm>>
      tpu.enqueue_dma source(%dma_start3A_63 : memref<5120x16xf32, #tpu.memory_space<hbm>>) target(%arg6 : memref<5120x16xf32, #tpu.memory_space<vmem>>) target_semaphore(%arg9 : memref<!tpu.dma_semaphore, #tpu.memory_space<semaphore_mem>>)
      %mul3A_64 = arith.constant 5120 : i32
      %mul3A_65 = arith.muli %add3A, %mul3A_64 : i32
      %dma_start3A_66 = tpu.memref_slice %arg3[%mul3A_65] : memref<160000xi32, #tpu.memory_space<hbm>> -> memref<5120xi32, #tpu.memory_space<hbm>>
      %dma_start3A_67 = tpu.memref_slice %arg3[%mul3A_65] : memref<160000xi32, #tpu.memory_space<hbm>> -> memref<5120xi32, #tpu.memory_space<hbm>>
      tpu.enqueue_dma source(%dma_start3A_67 : memref<5120xi32, #tpu.memory_space<hbm>>) target(%arg7 : memref<5120xi32, #tpu.memory_space<vmem>>) target_semaphore(%arg9 : memref<!tpu.dma_semaphore, #tpu.memory_space<semaphore_mem>>)
      %dma_wait3A_68 = arith.constant 0 : i32
      %dma_wait3A_69 = tpu.memref_slice %arg2[%mul3A_59, %dma_wait3A_68] : memref<160000x16xf32, #tpu.memory_space<hbm>> -> memref<5120x16xf32, #tpu.memory_space<hbm>>
      %dma_wait3A_70 = arith.constant 0 : i32
      %dma_wait3A_71 = tpu.memref_slice %arg2[%mul3A_59, %dma_wait3A_70] : memref<160000x16xf32, #tpu.memory_space<hbm>> -> memref<5120x16xf32, #tpu.memory_space<hbm>>
      tpu.wait_dma2 semaphore(%arg9 : memref<!tpu.dma_semaphore, #tpu.memory_space<semaphore_mem>>) src(%dma_wait3A_71 : memref<5120x16xf32, #tpu.memory_space<hbm>>) dst(%arg6 : memref<5120x16xf32, #tpu.memory_space<vmem>>)
      %dma_wait3A_72 = tpu.memref_slice %arg3[%mul3A_65] : memref<160000xi32, #tpu.memory_space<hbm>> -> memref<5120xi32, #tpu.memory_space<hbm>>
      %dma_wait3A_73 = tpu.memref_slice %arg3[%mul3A_65] : memref<160000xi32, #tpu.memory_space<hbm>> -> memref<5120xi32, #tpu.memory_space<hbm>>
      tpu.wait_dma2 semaphore(%arg9 : memref<!tpu.dma_semaphore, #tpu.memory_space<semaphore_mem>>) src(%dma_wait3A_73 : memref<5120xi32, #tpu.memory_space<hbm>>) dst(%arg7 : memref<5120xi32, #tpu.memory_space<vmem>>)
    } else {
    }
    %convert_element_type3A_12 = arith.extui %eq3A_1 : i1 to i32
    %cond3A_13 = arith.constant 0 : i32
    %cond3A_14 = arith.cmpi ne, %convert_element_type3A_12, %cond3A_13 : i32
    scf.if %cond3A_14 {
      %mul3A_58 = arith.constant 5120 : i32
      %mul3A_59 = arith.muli %add3A, %mul3A_58 : i32
      %dma_start3A_60 = arith.constant 0 : i32
      %dma_start3A_61 = arith.constant 0 : i32
      %dma_start3A_62 = tpu.memref_slice %arg6[%dma_start3A_60, %dma_start3A_61] : memref<5120x16xf32, #tpu.memory_space<vmem>> -> memref<1280x16xf32, #tpu.memory_space<vmem>>
      %dma_start3A_63 = arith.constant 0 : i32
      %dma_start3A_64 = tpu.memref_slice %arg2[%mul3A_59, %dma_start3A_63] : memref<160000x16xf32, #tpu.memory_space<hbm>> -> memref<1280x16xf32, #tpu.memory_space<hbm>>
      %dma_start3A_65 = arith.constant 0 : i32
      %dma_start3A_66 = arith.constant 0 : i32
      %dma_start3A_67 = tpu.memref_slice %arg6[%dma_start3A_65, %dma_start3A_66] : memref<5120x16xf32, #tpu.memory_space<vmem>> -> memref<1280x16xf32, #tpu.memory_space<vmem>>
      %dma_start3A_68 = arith.constant 0 : i32
      %dma_start3A_69 = tpu.memref_slice %arg2[%mul3A_59, %dma_start3A_68] : memref<160000x16xf32, #tpu.memory_space<hbm>> -> memref<1280x16xf32, #tpu.memory_space<hbm>>
      tpu.enqueue_dma source(%dma_start3A_69 : memref<1280x16xf32, #tpu.memory_space<hbm>>) target(%dma_start3A_67 : memref<1280x16xf32, #tpu.memory_space<vmem>>) target_semaphore(%arg9 : memref<!tpu.dma_semaphore, #tpu.memory_space<semaphore_mem>>)
      %mul3A_70 = arith.constant 5120 : i32
      %mul3A_71 = arith.muli %add3A, %mul3A_70 : i32
      %dma_start3A_72 = arith.constant 0 : i32
      %dma_start3A_73 = tpu.memref_slice %arg7[%dma_start3A_72] : memref<5120xi32, #tpu.memory_space<vmem>> -> memref<1280xi32, #tpu.memory_space<vmem>>
      %dma_start3A_74 = tpu.memref_slice %arg3[%mul3A_71] : memref<160000xi32, #tpu.memory_space<hbm>> -> memref<1280xi32, #tpu.memory_space<hbm>>
      %dma_start3A_75 = arith.constant 0 : i32
      %dma_start3A_76 = tpu.memref_slice %arg7[%dma_start3A_75] : memref<5120xi32, #tpu.memory_space<vmem>> -> memref<1280xi32, #tpu.memory_space<vmem>>
      %dma_start3A_77 = tpu.memref_slice %arg3[%mul3A_71] : memref<160000xi32, #tpu.memory_space<hbm>> -> memref<1280xi32, #tpu.memory_space<hbm>>
      tpu.enqueue_dma source(%dma_start3A_77 : memref<1280xi32, #tpu.memory_space<hbm>>) target(%dma_start3A_76 : memref<1280xi32, #tpu.memory_space<vmem>>) target_semaphore(%arg9 : memref<!tpu.dma_semaphore, #tpu.memory_space<semaphore_mem>>)
      %dma_wait3A_78 = arith.constant 0 : i32
      %dma_wait3A_79 = arith.constant 0 : i32
      %dma_wait3A_80 = tpu.memref_slice %arg6[%dma_wait3A_78, %dma_wait3A_79] : memref<5120x16xf32, #tpu.memory_space<vmem>> -> memref<1280x16xf32, #tpu.memory_space<vmem>>
      %dma_wait3A_81 = arith.constant 0 : i32
      %dma_wait3A_82 = tpu.memref_slice %arg2[%mul3A_59, %dma_wait3A_81] : memref<160000x16xf32, #tpu.memory_space<hbm>> -> memref<1280x16xf32, #tpu.memory_space<hbm>>
      %dma_wait3A_83 = arith.constant 0 : i32
      %dma_wait3A_84 = arith.constant 0 : i32
      %dma_wait3A_85 = tpu.memref_slice %arg6[%dma_wait3A_83, %dma_wait3A_84] : memref<5120x16xf32, #tpu.memory_space<vmem>> -> memref<1280x16xf32, #tpu.memory_space<vmem>>
      %dma_wait3A_86 = arith.constant 0 : i32
      %dma_wait3A_87 = tpu.memref_slice %arg2[%mul3A_59, %dma_wait3A_86] : memref<160000x16xf32, #tpu.memory_space<hbm>> -> memref<1280x16xf32, #tpu.memory_space<hbm>>
      tpu.wait_dma2 semaphore(%arg9 : memref<!tpu.dma_semaphore, #tpu.memory_space<semaphore_mem>>) src(%dma_wait3A_87 : memref<1280x16xf32, #tpu.memory_space<hbm>>) dst(%dma_wait3A_85 : memref<1280x16xf32, #tpu.memory_space<vmem>>)
      %dma_wait3A_88 = arith.constant 0 : i32
      %dma_wait3A_89 = tpu.memref_slice %arg7[%dma_wait3A_88] : memref<5120xi32, #tpu.memory_space<vmem>> -> memref<1280xi32, #tpu.memory_space<vmem>>
      %dma_wait3A_90 = tpu.memref_slice %arg3[%mul3A_71] : memref<160000xi32, #tpu.memory_space<hbm>> -> memref<1280xi32, #tpu.memory_space<hbm>>
      %dma_wait3A_91 = arith.constant 0 : i32
      %dma_wait3A_92 = tpu.memref_slice %arg7[%dma_wait3A_91] : memref<5120xi32, #tpu.memory_space<vmem>> -> memref<1280xi32, #tpu.memory_space<vmem>>
      %dma_wait3A_93 = tpu.memref_slice %arg3[%mul3A_71] : memref<160000xi32, #tpu.memory_space<hbm>> -> memref<1280xi32, #tpu.memory_space<hbm>>
      tpu.wait_dma2 semaphore(%arg9 : memref<!tpu.dma_semaphore, #tpu.memory_space<semaphore_mem>>) src(%dma_wait3A_93 : memref<1280xi32, #tpu.memory_space<hbm>>) dst(%dma_wait3A_92 : memref<1280xi32, #tpu.memory_space<vmem>>)
    } else {
    }
    %dma_wait3A = arith.constant 0 : i32
    %dma_wait3A_15 = tpu.memref_slice %arg8[%mul3A_6, %dma_wait3A] : memref<10240x16xf32, #tpu.memory_space<vmem_shared>> -> memref<640x16xf32, #tpu.memory_space<vmem_shared>>
    %dma_wait3A_16 = arith.constant 0 : i32
    %dma_wait3A_17 = tpu.memref_slice %arg4[%mul3A_4, %dma_wait3A_16] : memref<10240x16xf32, #tpu.memory_space<hbm>> -> memref<640x16xf32, #tpu.memory_space<hbm>>
    tpu.wait_dma2 semaphore(%arg9 : memref<!tpu.dma_semaphore, #tpu.memory_space<semaphore_mem>>) src(%dma_wait3A_17 : memref<640x16xf32, #tpu.memory_space<hbm>>) dst(%dma_wait3A_15 : memref<640x16xf32, #tpu.memory_space<vmem_shared>>)
    %barrier3A = arith.constant 0 : index
    tpu.barrier barrier_id(%barrier3A)
    %sub3A = arith.constant 0 : i32
    %sub3A_18 = arith.subi %select_n3A, %sub3A : i32
    %sub3A_19 = arith.constant 1 : i32
    %sub3A_20 = arith.constant 1 : i32
    %sub3A_21 = arith.subi %sub3A_19, %sub3A_20 : i32
    %add3A_22 = arith.addi %sub3A_18, %sub3A_21 : i32
    %div3A = arith.constant 1 : i32
    %div3A_23 = arith.divsi %add3A_22, %div3A : i32
    %while3A = arith.constant 1 : i32
    %while3A_24 = arith.constant 0 : i32
    %while3A_25 = arith.constant 0 : i32
    %while3A_26 = arith.subi %div3A_23, %while3A_25 : i32
    %while3A_27 = arith.addi %while3A_25, %while3A_26 : i32
    %while3A_28 = arith.constant 1 : i32
    %while3A_29 = arith.divsi %while3A_26, %while3A_28 : i32
    %while3A_30 = arith.muli %while3A_29, %while3A_28 : i32
    %while3A_31 = arith.addi %while3A_25, %while3A_30 : i32
    %while3A_32 = arith.constant 1 : i32
    scf.for %while3A_58 = %while3A_25 to %while3A_31 step %while3A_32  : i32 {
      %mul3A_59 = arith.muli %while3A_58, %while3A : i32
      %add3A_60 = arith.addi %while3A_24, %mul3A_59 : i32
      %mul3A_61 = arith.constant 128 : i32
      %mul3A_62 = arith.muli %add3A_60, %mul3A_61 : i32
      %mul3A_63 = arith.constant 128 : i32
      %mul3A_64 = arith.muli %add3A_60, %mul3A_63 : i32
      %dma_start3A_65 = arith.constant 0 : i32
      %dma_start3A_66 = tpu.memref_slice %arg6[%mul3A_62, %dma_start3A_65] : memref<5120x16xf32, #tpu.memory_space<vmem>> -> memref<128x16xf32, #tpu.memory_space<vmem>>
      %dma_start3A_67 = tpu.memref_slice %arg7[%mul3A_64] : memref<5120xi32, #tpu.memory_space<vmem>> -> memref<128xi32, #tpu.memory_space<vmem>>
      %dma_start3A_68 = arith.constant 0 : i32
      %dma_start3A_69 = arith.constant 0 : i32
      %dma_start3A_70 = tpu.memref_slice %arg8[%dma_start3A_68, %dma_start3A_69] : memref<10240x16xf32, #tpu.memory_space<vmem_shared>> -> memref<10240x16xf32, #tpu.memory_space<vmem_shared>>
      tpu.enqueue_indirect_dma source(%dma_start3A_66 : memref<128x16xf32, #tpu.memory_space<vmem>>) target(%dma_start3A_70 : memref<10240x16xf32, #tpu.memory_space<vmem_shared>>) offsets(%dma_start3A_67 : memref<128xi32, #tpu.memory_space<vmem>>) semaphore(%arg10 : memref<!tpu.dma_semaphore, #tpu.memory_space<semaphore_mem>>) {add = true}
    }
    %while3A_33 = arith.constant 1 : i32
    scf.for %while3A_58 = %while3A_31 to %while3A_27 step %while3A_33  : i32 {
      %mul3A_59 = arith.muli %while3A_58, %while3A : i32
      %add3A_60 = arith.addi %while3A_24, %mul3A_59 : i32
      %mul3A_61 = arith.constant 128 : i32
      %mul3A_62 = arith.muli %add3A_60, %mul3A_61 : i32
      %mul3A_63 = arith.constant 128 : i32
      %mul3A_64 = arith.muli %add3A_60, %mul3A_63 : i32
      %dma_start3A_65 = arith.constant 0 : i32
      %dma_start3A_66 = tpu.memref_slice %arg6[%mul3A_62, %dma_start3A_65] : memref<5120x16xf32, #tpu.memory_space<vmem>> -> memref<128x16xf32, #tpu.memory_space<vmem>>
      %dma_start3A_67 = tpu.memref_slice %arg7[%mul3A_64] : memref<5120xi32, #tpu.memory_space<vmem>> -> memref<128xi32, #tpu.memory_space<vmem>>
      %dma_start3A_68 = arith.constant 0 : i32
      %dma_start3A_69 = arith.constant 0 : i32
      %dma_start3A_70 = tpu.memref_slice %arg8[%dma_start3A_68, %dma_start3A_69] : memref<10240x16xf32, #tpu.memory_space<vmem_shared>> -> memref<10240x16xf32, #tpu.memory_space<vmem_shared>>
      tpu.enqueue_indirect_dma source(%dma_start3A_66 : memref<128x16xf32, #tpu.memory_space<vmem>>) target(%dma_start3A_70 : memref<10240x16xf32, #tpu.memory_space<vmem_shared>>) offsets(%dma_start3A_67 : memref<128xi32, #tpu.memory_space<vmem>>) semaphore(%arg10 : memref<!tpu.dma_semaphore, #tpu.memory_space<semaphore_mem>>) {add = true}
    }
    %sub3A_34 = arith.constant 0 : i32
    %sub3A_35 = arith.subi %select_n3A, %sub3A_34 : i32
    %sub3A_36 = arith.constant 1 : i32
    %sub3A_37 = arith.constant 1 : i32
    %sub3A_38 = arith.subi %sub3A_36, %sub3A_37 : i32
    %add3A_39 = arith.addi %sub3A_35, %sub3A_38 : i32
    %div3A_40 = arith.constant 1 : i32
    %div3A_41 = arith.divsi %add3A_39, %div3A_40 : i32
    %while3A_42 = arith.constant 1 : i32
    %while3A_43 = arith.constant 0 : i32
    %while3A_44 = arith.constant 0 : i32
    %while3A_45 = arith.subi %div3A_41, %while3A_44 : i32
    %while3A_46 = arith.addi %while3A_44, %while3A_45 : i32
    %while3A_47 = arith.constant 1 : i32
    %while3A_48 = arith.divsi %while3A_45, %while3A_47 : i32
    %while3A_49 = arith.muli %while3A_48, %while3A_47 : i32
    %while3A_50 = arith.addi %while3A_44, %while3A_49 : i32
    %while3A_51 = arith.constant 1 : i32
    scf.for %while3A_58 = %while3A_44 to %while3A_50 step %while3A_51  : i32 {
      %mul3A_59 = arith.muli %while3A_58, %while3A_42 : i32
      %add3A_60 = arith.addi %while3A_43, %mul3A_59 : i32
      %mul3A_61 = arith.constant 128 : i32
      %mul3A_62 = arith.muli %add3A_60, %mul3A_61 : i32
      %mul3A_63 = arith.constant 128 : i32
      %mul3A_64 = arith.muli %add3A_60, %mul3A_63 : i32
      %dma_wait3A_65 = arith.constant 0 : i32
      %dma_wait3A_66 = tpu.memref_slice %arg6[%mul3A_62, %dma_wait3A_65] : memref<5120x16xf32, #tpu.memory_space<vmem>> -> memref<128x16xf32, #tpu.memory_space<vmem>>
      %dma_wait3A_67 = tpu.memref_slice %arg7[%mul3A_64] : memref<5120xi32, #tpu.memory_space<vmem>> -> memref<128xi32, #tpu.memory_space<vmem>>
      %dma_wait3A_68 = arith.constant 0 : i32
      %dma_wait3A_69 = arith.constant 0 : i32
      %dma_wait3A_70 = tpu.memref_slice %arg8[%dma_wait3A_68, %dma_wait3A_69] : memref<10240x16xf32, #tpu.memory_space<vmem_shared>> -> memref<10240x16xf32, #tpu.memory_space<vmem_shared>>
      tpu.wait_indirect_dma semaphore(%arg10 : memref<!tpu.dma_semaphore, #tpu.memory_space<semaphore_mem>>) src(%dma_wait3A_66 : memref<128x16xf32, #tpu.memory_space<vmem>>) dst(%dma_wait3A_70 : memref<10240x16xf32, #tpu.memory_space<vmem_shared>>)
    }
    %while3A_52 = arith.constant 1 : i32
    scf.for %while3A_58 = %while3A_50 to %while3A_46 step %while3A_52  : i32 {
      %mul3A_59 = arith.muli %while3A_58, %while3A_42 : i32
      %add3A_60 = arith.addi %while3A_43, %mul3A_59 : i32
      %mul3A_61 = arith.constant 128 : i32
      %mul3A_62 = arith.muli %add3A_60, %mul3A_61 : i32
      %mul3A_63 = arith.constant 128 : i32
      %mul3A_64 = arith.muli %add3A_60, %mul3A_63 : i32
      %dma_wait3A_65 = arith.constant 0 : i32
      %dma_wait3A_66 = tpu.memref_slice %arg6[%mul3A_62, %dma_wait3A_65] : memref<5120x16xf32, #tpu.memory_space<vmem>> -> memref<128x16xf32, #tpu.memory_space<vmem>>
      %dma_wait3A_67 = tpu.memref_slice %arg7[%mul3A_64] : memref<5120xi32, #tpu.memory_space<vmem>> -> memref<128xi32, #tpu.memory_space<vmem>>
      %dma_wait3A_68 = arith.constant 0 : i32
      %dma_wait3A_69 = arith.constant 0 : i32
      %dma_wait3A_70 = tpu.memref_slice %arg8[%dma_wait3A_68, %dma_wait3A_69] : memref<10240x16xf32, #tpu.memory_space<vmem_shared>> -> memref<10240x16xf32, #tpu.memory_space<vmem_shared>>
      tpu.wait_indirect_dma semaphore(%arg10 : memref<!tpu.dma_semaphore, #tpu.memory_space<semaphore_mem>>) src(%dma_wait3A_66 : memref<128x16xf32, #tpu.memory_space<vmem>>) dst(%dma_wait3A_70 : memref<10240x16xf32, #tpu.memory_space<vmem_shared>>)
    }
    %barrier3A_53 = arith.constant 0 : index
    tpu.barrier barrier_id(%barrier3A_53)
    %mul3A_54 = arith.constant 640 : i32
    %mul3A_55 = arith.muli %arg1, %mul3A_54 : i32
    %mul3A_56 = arith.constant 640 : i32
    %mul3A_57 = arith.muli %arg1, %mul3A_56 : i32
    "tpu.region"() ({
      %run_scoped3A = tpu.sem_alloc : memref<!tpu.dma_semaphore, #tpu.memory_space<semaphore_mem>>
      %dma_start3A_58 = arith.constant 0 : i32
      %dma_start3A_59 = tpu.memref_slice %arg5[%arg0, %mul3A_57, %dma_start3A_58] : memref<2x10240x16xf32, #tpu.memory_space<hbm>> -> memref<1x640x16xf32, #tpu.memory_space<hbm>>
      %dma_start3A_60 = tpu.memref_squeeze %dma_start3A_59 : memref<1x640x16xf32, #tpu.memory_space<hbm>> -> memref<640x16xf32, #tpu.memory_space<hbm>>
      %dma_start3A_61 = arith.constant 0 : i32
      %dma_start3A_62 = tpu.memref_slice %arg8[%mul3A_55, %dma_start3A_61] : memref<10240x16xf32, #tpu.memory_space<vmem_shared>> -> memref<640x16xf32, #tpu.memory_space<vmem_shared>>
      tpu.enqueue_dma source(%dma_start3A_62 : memref<640x16xf32, #tpu.memory_space<vmem_shared>>) target(%dma_start3A_60 : memref<640x16xf32, #tpu.memory_space<hbm>>) target_semaphore(%run_scoped3A : memref<!tpu.dma_semaphore, #tpu.memory_space<semaphore_mem>>)
      %dma_wait3A_63 = arith.constant 0 : i32
      %dma_wait3A_64 = tpu.memref_slice %arg5[%arg0, %mul3A_57, %dma_wait3A_63] : memref<2x10240x16xf32, #tpu.memory_space<hbm>> -> memref<1x640x16xf32, #tpu.memory_space<hbm>>
      %dma_wait3A_65 = tpu.memref_squeeze %dma_wait3A_64 : memref<1x640x16xf32, #tpu.memory_space<hbm>> -> memref<640x16xf32, #tpu.memory_space<hbm>>
      %dma_wait3A_66 = arith.constant 0 : i32
      %dma_wait3A_67 = tpu.memref_slice %arg8[%mul3A_55, %dma_wait3A_66] : memref<10240x16xf32, #tpu.memory_space<vmem_shared>> -> memref<640x16xf32, #tpu.memory_space<vmem_shared>>
      tpu.wait_dma2 semaphore(%run_scoped3A : memref<!tpu.dma_semaphore, #tpu.memory_space<semaphore_mem>>) src(%dma_wait3A_67 : memref<640x16xf32, #tpu.memory_space<vmem_shared>>) dst(%dma_wait3A_65 : memref<640x16xf32, #tpu.memory_space<hbm>>)
      tpu.yield
    }) : () -> ()
    return
  }
}

module attributes {stable_mosaic.version = 14 : i64} {
  func.func @body(%arg0: i32, %arg1: memref<2x1000x16xf32, #tpu.memory_space<vmem>>, %arg2: memref<1000x256xf32, #tpu.memory_space<vmem>>, %arg3: memref<1x128xf32, #tpu.memory_space<vmem>>, %arg4: memref<400x256xf32, #tpu.memory_space<vmem>>, %arg5: memref<1x256xf32, #tpu.memory_space<vmem>>, %arg6: memref<1000x256xf32, #tpu.memory_space<vmem>>) attributes {dimension_semantics = [#tpu.dimension_semantics<parallel>], iteration_bounds = array<i64: 10>, scalar_prefetch = 0 : i64, scratch_operands = 0 : i64, tpu.core_type = #tpu.core_type<tc>, window_params = [{transform_indices = @transform_0, window_bounds = array<i64: 2, 1000, 16>}, {transform_indices = @transform_1, window_bounds = array<i64: 1000, 256>}, {pipeline_mode = #tpu.pipeline_mode<synchronous>, transform_indices = @transform_2, window_bounds = array<i64: 1, 128>}, {pipeline_mode = #tpu.pipeline_mode<synchronous>, transform_indices = @transform_3, window_bounds = array<i64: 400, 256>}, {pipeline_mode = #tpu.pipeline_mode<synchronous>, transform_indices = @transform_4, window_bounds = array<i64: 1, 256>}, {transform_indices = @transform_5, window_bounds = array<i64: 1000, 256>}]} {
    %get3A = arith.constant 0 : index
    %get3A_0 = arith.constant 0 : index
    %get3A_1 = arith.constant 0 : index
    %get3A_2 = vector.load %arg1[%get3A, %get3A_0, %get3A_1] : memref<2x1000x16xf32, #tpu.memory_space<vmem>>, vector<1x1000x16xf32>
    %get3A_3 = vector.shape_cast %get3A_2 : vector<1x1000x16xf32> to vector<1000x16xf32>
    %get3A_4 = arith.constant 1 : index
    %get3A_5 = arith.constant 0 : index
    %get3A_6 = arith.constant 0 : index
    %get3A_7 = vector.load %arg1[%get3A_4, %get3A_5, %get3A_6] : memref<2x1000x16xf32, #tpu.memory_space<vmem>>, vector<1x1000x16xf32>
    %get3A_8 = vector.shape_cast %get3A_7 : vector<1x1000x16xf32> to vector<1000x16xf32>
    %add3A = arith.addf %get3A_3, %get3A_8 : vector<1000x16xf32>
    %get3A_9 = arith.constant 0 : index
    %get3A_10 = arith.constant 0 : index
    %get3A_11 = vector.load %arg4[%get3A_9, %get3A_10] : memref<400x256xf32, #tpu.memory_space<vmem>>, vector<400x256xf32>
    %slice3A = vector.extract_strided_slice %get3A_11 {offsets = [0, 0], sizes = [16, 256], strides = [1, 1]} : vector<400x256xf32> to vector<16x256xf32>
    %dot_general3A = arith.constant dense<0.000000e+00> : vector<1000x256xf32>
    %dot_general3A_12 = tpu.matmul %add3A, %slice3A, %dot_general3A {dimension_numbers = #tpu.dot_dimension_numbers<[1], [0], [0], [1], [0, 0, 1, 1], [], []>, transpose_lhs_hint = false} : vector<1000x16xf32>, vector<16x256xf32>, vector<1000x256xf32> -> vector<1000x256xf32>
    %get3A_13 = arith.constant 0 : index
    %get3A_14 = arith.constant 0 : index
    %get3A_15 = vector.load %arg2[%get3A_13, %get3A_14] : memref<1000x256xf32, #tpu.memory_space<vmem>>, vector<1000x256xf32>
    %slice3A_16 = vector.extract_strided_slice %get3A_11 {offsets = [16, 0], sizes = [256, 256], strides = [1, 1]} : vector<400x256xf32> to vector<256x256xf32>
    %dot_general3A_17 = arith.constant dense<0.000000e+00> : vector<1000x256xf32>
    %dot_general3A_18 = tpu.matmul %get3A_15, %slice3A_16, %dot_general3A_17 {dimension_numbers = #tpu.dot_dimension_numbers<[1], [0], [0], [1], [0, 0, 1, 1], [], []>, transpose_lhs_hint = false} : vector<1000x256xf32>, vector<256x256xf32>, vector<1000x256xf32> -> vector<1000x256xf32>
    %add3A_19 = arith.addf %dot_general3A_12, %dot_general3A_18 : vector<1000x256xf32>
    %get3A_20 = arith.constant 0 : index
    %get3A_21 = arith.constant 0 : index
    %get3A_22 = vector.load %arg3[%get3A_20, %get3A_21] : memref<1x128xf32, #tpu.memory_space<vmem>>, vector<1x128xf32>
    %slice3A_23 = vector.extract_strided_slice %get3A_11 {offsets = [272, 0], sizes = [128, 256], strides = [1, 1]} : vector<400x256xf32> to vector<128x256xf32>
    %dot_general3A_24 = arith.constant dense<0.000000e+00> : vector<1x256xf32>
    %dot_general3A_25 = tpu.matmul %get3A_22, %slice3A_23, %dot_general3A_24 {dimension_numbers = #tpu.dot_dimension_numbers<[1], [0], [0], [1], [0, 0, 1, 1], [], []>, transpose_lhs_hint = false} : vector<1x128xf32>, vector<128x256xf32>, vector<1x256xf32> -> vector<1x256xf32>
    %add3A_26 = vector.broadcast %dot_general3A_25 : vector<1x256xf32> to vector<1000x256xf32>
    %add3A_27 = arith.addf %add3A_19, %add3A_26 : vector<1000x256xf32>
    %get3A_28 = arith.constant 0 : index
    %get3A_29 = arith.constant 0 : index
    %get3A_30 = vector.load %arg5[%get3A_28, %get3A_29] : memref<1x256xf32, #tpu.memory_space<vmem>>, vector<1x256xf32>
    %add3A_31 = vector.broadcast %get3A_30 : vector<1x256xf32> to vector<1000x256xf32>
    %add3A_32 = arith.addf %add3A_27, %add3A_31 : vector<1000x256xf32>
    %max3A = arith.constant 0.000000e+00 : f32
    %max3A_33 = vector.broadcast %max3A : f32 to vector<1000x256xf32>
    %max3A_34 = arith.maximumf %add3A_32, %max3A_33 : vector<1000x256xf32>
    %swap3A = arith.constant 0 : index
    %swap3A_35 = arith.constant 0 : index
    %swap3A_36 = vector.load %arg6[%swap3A, %swap3A_35] : memref<1000x256xf32, #tpu.memory_space<vmem>>, vector<1000x256xf32>
    tpu.vector_store %arg6[%swap3A, %swap3A_35], %max3A_34 {strides = array<i32>} : memref<1000x256xf32, #tpu.memory_space<vmem>>, vector<1000x256xf32>,
    return
  }
  func.func @transform_0(%arg0: i32) -> (i32, i32, i32) {
    %c0_i32 = arith.constant 0 : i32
    %c0_i32_0 = arith.constant 0 : i32
    %c0_i32_1 = arith.constant 0 : i32
    return %c0_i32, %arg0, %c0_i32_0 : i32, i32, i32
  }
  func.func @transform_1(%arg0: i32) -> (i32, i32) {
    %c0_i32 = arith.constant 0 : i32
    %c0_i32_0 = arith.constant 0 : i32
    return %arg0, %c0_i32 : i32, i32
  }
  func.func @transform_2(%arg0: i32) -> (i32, i32) {
    %c0_i32 = arith.constant 0 : i32
    %c0_i32_0 = arith.constant 0 : i32
    %c0_i32_1 = arith.constant 0 : i32
    return %c0_i32, %c0_i32_0 : i32, i32
  }
  func.func @transform_3(%arg0: i32) -> (i32, i32) {
    %c0_i32 = arith.constant 0 : i32
    %c0_i32_0 = arith.constant 0 : i32
    %c0_i32_1 = arith.constant 0 : i32
    return %c0_i32, %c0_i32_0 : i32, i32
  }
  func.func @transform_4(%arg0: i32) -> (i32, i32) {
    %c0_i32 = arith.constant 0 : i32
    %c0_i32_0 = arith.constant 0 : i32
    %c0_i32_1 = arith.constant 0 : i32
    return %c0_i32, %c0_i32_0 : i32, i32
  }
  func.func @transform_5(%arg0: i32) -> (i32, i32) {
    %c0_i32 = arith.constant 0 : i32
    %c0_i32_0 = arith.constant 0 : i32
    return %arg0, %c0_i32 : i32, i32
  }
}

module attributes {stable_mosaic.version = 14 : i64} {
  func.func @body(%arg0: i32, %arg1: memref<16x6400xf32, #tpu.memory_space<vmem>>, %arg2: memref<800x128xf32, #tpu.memory_space<vmem>>) attributes {dimension_semantics = [#tpu.dimension_semantics<parallel>], iteration_bounds = array<i64: 25>, scalar_prefetch = 0 : i64, scratch_operands = 0 : i64, tpu.core_type = #tpu.core_type<tc>, window_params = [{transform_indices = @transform_0, window_bounds = array<i64: 16, 6400>}, {transform_indices = @transform_1, window_bounds = array<i64: 800, 128>}]} {
    %get3A = arith.constant 0 : index
    %get3A_0 = arith.constant 0 : index
    %get3A_1 = vector.load %arg1[%get3A, %get3A_0] : memref<16x6400xf32, #tpu.memory_space<vmem>>, vector<16x6400xf32>
    %transpose3A = tpu.transpose %get3A_1, [1, 0] : vector<16x6400xf32> -> vector<6400x16xf32>
    %reshape3A = vector.shape_cast %transpose3A : vector<6400x16xf32> to vector<800x8x16xf32>
    %slice3A = vector.extract_strided_slice %reshape3A {offsets = [0, 0, 0], sizes = [800, 1, 16], strides = [1, 1, 1]} : vector<800x8x16xf32> to vector<800x1x16xf32>
    %squeeze3A = vector.shape_cast %slice3A : vector<800x1x16xf32> to vector<800x16xf32>
    %swap3A = arith.constant 0 : index
    %swap3A_2 = arith.constant 0 : index
    %swap3A_3 = vector.load %arg2[%swap3A, %swap3A_2] : memref<800x128xf32, #tpu.memory_space<vmem>>, vector<800x16xf32>
    tpu.vector_store %arg2[%swap3A, %swap3A_2], %squeeze3A {strides = array<i32>} : memref<800x128xf32, #tpu.memory_space<vmem>>, vector<800x16xf32>,
    %slice3A_4 = vector.extract_strided_slice %reshape3A {offsets = [0, 1, 0], sizes = [800, 1, 16], strides = [1, 1, 1]} : vector<800x8x16xf32> to vector<800x1x16xf32>
    %squeeze3A_5 = vector.shape_cast %slice3A_4 : vector<800x1x16xf32> to vector<800x16xf32>
    %swap3A_6 = arith.constant 0 : index
    %swap3A_7 = arith.constant 16 : index
    %swap3A_8 = vector.load %arg2[%swap3A_6, %swap3A_7] : memref<800x128xf32, #tpu.memory_space<vmem>>, vector<800x16xf32>
    tpu.vector_store %arg2[%swap3A_6, %swap3A_7], %squeeze3A_5 {strides = array<i32>} : memref<800x128xf32, #tpu.memory_space<vmem>>, vector<800x16xf32>,
    %slice3A_9 = vector.extract_strided_slice %reshape3A {offsets = [0, 2, 0], sizes = [800, 1, 16], strides = [1, 1, 1]} : vector<800x8x16xf32> to vector<800x1x16xf32>
    %squeeze3A_10 = vector.shape_cast %slice3A_9 : vector<800x1x16xf32> to vector<800x16xf32>
    %swap3A_11 = arith.constant 0 : index
    %swap3A_12 = arith.constant 32 : index
    %swap3A_13 = vector.load %arg2[%swap3A_11, %swap3A_12] : memref<800x128xf32, #tpu.memory_space<vmem>>, vector<800x16xf32>
    tpu.vector_store %arg2[%swap3A_11, %swap3A_12], %squeeze3A_10 {strides = array<i32>} : memref<800x128xf32, #tpu.memory_space<vmem>>, vector<800x16xf32>,
    %slice3A_14 = vector.extract_strided_slice %reshape3A {offsets = [0, 3, 0], sizes = [800, 1, 16], strides = [1, 1, 1]} : vector<800x8x16xf32> to vector<800x1x16xf32>
    %squeeze3A_15 = vector.shape_cast %slice3A_14 : vector<800x1x16xf32> to vector<800x16xf32>
    %swap3A_16 = arith.constant 0 : index
    %swap3A_17 = arith.constant 48 : index
    %swap3A_18 = vector.load %arg2[%swap3A_16, %swap3A_17] : memref<800x128xf32, #tpu.memory_space<vmem>>, vector<800x16xf32>
    tpu.vector_store %arg2[%swap3A_16, %swap3A_17], %squeeze3A_15 {strides = array<i32>} : memref<800x128xf32, #tpu.memory_space<vmem>>, vector<800x16xf32>,
    %slice3A_19 = vector.extract_strided_slice %reshape3A {offsets = [0, 4, 0], sizes = [800, 1, 16], strides = [1, 1, 1]} : vector<800x8x16xf32> to vector<800x1x16xf32>
    %squeeze3A_20 = vector.shape_cast %slice3A_19 : vector<800x1x16xf32> to vector<800x16xf32>
    %swap3A_21 = arith.constant 0 : index
    %swap3A_22 = arith.constant 64 : index
    %swap3A_23 = vector.load %arg2[%swap3A_21, %swap3A_22] : memref<800x128xf32, #tpu.memory_space<vmem>>, vector<800x16xf32>
    tpu.vector_store %arg2[%swap3A_21, %swap3A_22], %squeeze3A_20 {strides = array<i32>} : memref<800x128xf32, #tpu.memory_space<vmem>>, vector<800x16xf32>,
    %slice3A_24 = vector.extract_strided_slice %reshape3A {offsets = [0, 5, 0], sizes = [800, 1, 16], strides = [1, 1, 1]} : vector<800x8x16xf32> to vector<800x1x16xf32>
    %squeeze3A_25 = vector.shape_cast %slice3A_24 : vector<800x1x16xf32> to vector<800x16xf32>
    %swap3A_26 = arith.constant 0 : index
    %swap3A_27 = arith.constant 80 : index
    %swap3A_28 = vector.load %arg2[%swap3A_26, %swap3A_27] : memref<800x128xf32, #tpu.memory_space<vmem>>, vector<800x16xf32>
    tpu.vector_store %arg2[%swap3A_26, %swap3A_27], %squeeze3A_25 {strides = array<i32>} : memref<800x128xf32, #tpu.memory_space<vmem>>, vector<800x16xf32>,
    %slice3A_29 = vector.extract_strided_slice %reshape3A {offsets = [0, 6, 0], sizes = [800, 1, 16], strides = [1, 1, 1]} : vector<800x8x16xf32> to vector<800x1x16xf32>
    %squeeze3A_30 = vector.shape_cast %slice3A_29 : vector<800x1x16xf32> to vector<800x16xf32>
    %swap3A_31 = arith.constant 0 : index
    %swap3A_32 = arith.constant 96 : index
    %swap3A_33 = vector.load %arg2[%swap3A_31, %swap3A_32] : memref<800x128xf32, #tpu.memory_space<vmem>>, vector<800x16xf32>
    tpu.vector_store %arg2[%swap3A_31, %swap3A_32], %squeeze3A_30 {strides = array<i32>} : memref<800x128xf32, #tpu.memory_space<vmem>>, vector<800x16xf32>,
    %slice3A_34 = vector.extract_strided_slice %reshape3A {offsets = [0, 7, 0], sizes = [800, 1, 16], strides = [1, 1, 1]} : vector<800x8x16xf32> to vector<800x1x16xf32>
    %squeeze3A_35 = vector.shape_cast %slice3A_34 : vector<800x1x16xf32> to vector<800x16xf32>
    %swap3A_36 = arith.constant 0 : index
    %swap3A_37 = arith.constant 112 : index
    %swap3A_38 = vector.load %arg2[%swap3A_36, %swap3A_37] : memref<800x128xf32, #tpu.memory_space<vmem>>, vector<800x16xf32>
    tpu.vector_store %arg2[%swap3A_36, %swap3A_37], %squeeze3A_35 {strides = array<i32>} : memref<800x128xf32, #tpu.memory_space<vmem>>, vector<800x16xf32>,
    return
  }
  func.func @transform_0(%arg0: i32) -> (i32, i32) {
    %c0_i32 = arith.constant 0 : i32
    %c0_i32_0 = arith.constant 0 : i32
    return %c0_i32, %arg0 : i32, i32
  }
  func.func @transform_1(%arg0: i32) -> (i32, i32) {
    %c0_i32 = arith.constant 0 : i32
    %c0_i32_0 = arith.constant 0 : i32
    return %arg0, %c0_i32 : i32, i32
  }
}

</mosaic_0001>

<sc_bundles>
// kernel: kernel.5.cloned.1.call-start
scs
__scs_entry_jumppad:
0x0: {  	(pc) =	sbr.rel $0x88, $3  }
0x1: {  	(tag) =	ssettag $0x0;
	lr =	simm.s32 $0x1  }
0x2: {  	[smem:$0x3F9B] =	sst lr;
	_ =	strace $0xD0000000  }
0x3: {  	_ = 	snop  }
0x4: {  	_ = 	snop  }
0x5: {  	_ = 	snop  }
0x6: {  	_ = 	snop  }
0x7: {  	_ = 	snop  }
__scs_overlays_trampoline_lowered:
0x8: {  	[smem:$0x3FAA] =	sst s0  }
0x9: {  	[smem:$0x3FAB] =	sst s1  }
0xa: {  	[smem:$0x3FAC] =	sst s2  }
0xb: {  	[smem:$0x3FAD] =	sst s3  }
0xc: {  	[smem:$0x3FAE] =	sst s4  }
0xd: {  	[smem:$0x3FAF] =	sst s5  }
0xe: {  	[smem:$0x3FB0] =	sst s6  }
0xf: {  	[smem:$0x3FB1] =	sst s7  }
0x10: {  	[smem:$0x3FB2] =	sst s8  }
0x11: {  	[smem:$0x3FB3] =	sst s9;
	s0 =	simm.s32 @!p0 $0x0  }
0x12: {  	s1 =	sld [smem:$0x3F99];
	s0 =	simm.s32 @p0 $0x1  }
0x13: {  	[smem:$0x3FB4] =	sst s0;
	s0 =	simm.s32 @!p1 $0x0  }
0x14: {  	s2 =	sld [smem:$0x3F98];
	s0 =	simm.s32 @p1 $0x1  }
0x15: {  	[smem:$0x3FB5] =	sst s0;
	s0 =	simm.s32 @!p2 $0x0  }
0x16: {  	s3 =	sld [smem:$0x3FDB];
	s0 =	simm.s32 @p2 $0x1  }
0x17: {  	s4 =	simm.s32 $0x1BF5;
	[smem:$0x3FB7] =	sst s0  }
0x18: {  	s0 =	sld [smem:$0x3F9A];
	_ =	swait.ge [sflag:s4], $0x0  }
0x19: {  	s7 =	sld [smem:$0x3F9B]  }
0x1a: {  	s8 =	sadd.s32 $0xFFFFE003, lr  }
0x1b: {  	s9 =	sadd.s32 $0xFFFFFEF7, lr;
	s5 =	simm.s32 $0xFFFFFFFF;
	p2 =	slt.u32 s8, $0xFFFFF086  }
0x1c: {  	p1 =	slt.u32 s9, $0xF7A;
	s5 =	simm.s32 @!p2 $0x0  }
0x1d: {  	s5 =	simm.s32 @p1 $0x1;
	p0 =	seq.s32 s7, s2  }
0x1e: {  	s7 =	smul.u32 @!p0 $0xF7A, s2;
	p2 =	seq.s32 @!p0 s5, $0x0  }
0x1f: {  	s9 =	smul.u32 $0xF7A, s1;
	s8 =	simm.s32 @!p0 $0x1BF5;
	p2 =	por !p2, p0  }
0x20: {  	[sflag:s8] =	ssyncset.s32 @!p0 $0xFFFFF086;
	s6 =	sadd.s32 @!p0 s3, s7;
	s7 =	simm.s32 @!p0 $0x108  }
0x21: {  	s3 =	sadd.s32 s3, s9;
	s6 =	sadd.s32 @!p0 $0x88, s6;
	s7 =	simm.s32 @p2 $0x1082  }
0x22: {  	[simem:s7], [sflag:s8] =	dma.local @!p0 [hbm:s6], $0xF7A  }
0x23: {  	s9 =	sor.u32 $0xD0000000, s2;
	s6 =	simm.s32 $0x108;
	_ =	swait.ge @!p0 [sflag:s8], $0x0  }
0x24: {  	s3 =	sadd.s32 $0x88, s3;
	s6 =	simm.s32 @!p1 $0x1082;
	[sflag:s4] =	ssyncset.s32 $0xFFFFF086  }
0x25: {  	[simem:s6], [sflag:s4] =	dma.local [hbm:s3], $0xF7A  }
0x26: {  	[smem:$0x3F9B] =	sst s1;
	(tag) =	ssettag s2;
	_ =	strace s9  }
0x27: {  	s1 =	sld [smem:$0x3FAB]  }
0x28: {  	s2 =	sld [smem:$0x3FAC]  }
0x29: {  	s4 =	sld [smem:$0x3FAE]  }
0x2a: {  	p0 =	seq.s32 s5, $0x0;
	s5 =	sld [smem:$0x3FAF]  }
0x2b: {  	s6 =	sld [smem:$0x3FB0]  }
0x2c: {  	s7 =	sld [smem:$0x3FB1]  }
0x2d: {  	s3 =	simm.s32 $0x108;
	s8 =	sld [smem:$0x3FB2]  }
0x2e: {  	s3 =	simm.s32 @!p0 $0x1082;
	s9 =	sld [smem:$0x3FB3]  }
0x2f: {  	lr =	sadd.s32 s0, s3;
	s0 =	sld [smem:$0x3FAA]  }
0x30: {  	s3 =	sld [smem:$0x3FAD]  }
0x31: {  	[smem:$0x3FB6] =	sst s10  }
0x32: {  	s10 =	sld [smem:$0x3FB4];
	_ =	sdelay $0x3  }
0x33: {  	p0 =	seq.s32 s10, $0x1;
	s10 =	sld [smem:$0x3FB6];
	_ =	sdelay $0x3  }
0x34: {  	[smem:$0x3FB6] =	sst s10  }
0x35: {  	s10 =	sld [smem:$0x3FB5];
	_ =	sdelay $0x3  }
0x36: {  	p1 =	seq.s32 s10, $0x1;
	s10 =	sld [smem:$0x3FB6];
	_ =	sdelay $0x3  }
0x37: {  	[smem:$0x3FB6] =	sst s10  }
0x38: {  	s10 =	sld [smem:$0x3FB7]  }
0x39: {  	_ = 	snop;
	(pc) =	sbr.ind lr, $3  }
0x3a: {  	_ = 	snop  }
0x3b: {  	_ = 	snop  }
0x3c: {  	p2 =	seq.s32 s10, $0x1;
	s10 =	sld [smem:$0x3FB6]  }
0x3d: {  	_ =	shalt  }
0x3e: {  	_ =	shalt  }
0x3f: {  	_ =	shalt  }
0x40: {  	_ =	shalt  }
0x41: {  	_ =	shalt  }
0x42: {  	_ =	shalt  }
0x43: {  	_ =	shalt  }
0x44: {  	_ =	shalt  }
0x45: {  	_ =	shalt  }
0x46: {  	_ =	shalt  }
0x47: {  	_ =	shalt  }
0x48: {  	_ =	shalt  }
0x49: {  	_ =	shalt  }
0x4a: {  	_ =	shalt  }
0x4b: {  	_ =	shalt  }
0x4c: {  	_ =	shalt  }
0x4d: {  	_ =	shalt  }
0x4e: {  	_ =	shalt  }
0x4f: {  	_ =	shalt  }
0x50: {  	_ =	shalt  }
0x51: {  	_ =	shalt  }
0x52: {  	_ =	shalt  }
0x53: {  	_ =	shalt  }
0x54: {  	_ =	shalt  }
0x55: {  	_ =	shalt  }
0x56: {  	_ =	shalt  }
0x57: {  	_ =	shalt  }
0x58: {  	_ =	shalt  }
0x59: {  	_ =	shalt  }
0x5a: {  	_ =	shalt  }
0x5b: {  	_ =	shalt  }
0x5c: {  	_ =	shalt  }
0x5d: {  	_ =	shalt  }
0x5e: {  	_ =	shalt  }
0x5f: {  	_ =	shalt  }
0x60: {  	_ =	shalt  }
0x61: {  	_ =	shalt  }
0x62: {  	_ =	shalt  }
0x63: {  	_ =	shalt  }
0x64: {  	_ =	shalt  }
0x65: {  	_ =	shalt  }
0x66: {  	_ =	shalt  }
0x67: {  	_ =	shalt  }
0x68: {  	_ =	shalt  }
0x69: {  	_ =	shalt  }
0x6a: {  	_ =	shalt  }
0x6b: {  	_ =	shalt  }
0x6c: {  	_ =	shalt  }
0x6d: {  	_ =	shalt  }
0x6e: {  	_ =	shalt  }
0x6f: {  	_ =	shalt  }
0x70: {  	_ =	shalt  }
0x71: {  	_ =	shalt  }
0x72: {  	_ =	shalt  }
0x73: {  	_ =	shalt  }
0x74: {  	_ =	shalt  }
0x75: {  	_ =	shalt  }
0x76: {  	_ =	shalt  }
0x77: {  	_ =	shalt  }
0x78: {  	_ =	shalt  }
0x79: {  	_ =	shalt  }
0x7a: {  	_ =	shalt  }
0x7b: {  	_ =	shalt  }
0x7c: {  	_ =	shalt  }
0x7d: {  	_ =	shalt  }
0x7e: {  	_ =	shalt  }
0x7f: {  	_ =	shalt  }
0x80: {  	_ =	shalt  }
0x81: {  	_ =	shalt  }
0x82: {  	_ =	shalt  }
0x83: {  	_ =	shalt  }
0x84: {  	_ =	shalt  }
0x85: {  	_ =	shalt  }
0x86: {  	_ =	shalt  }
0x87: {  	_ =	shalt  }
.Lfunc_end0:
.L_simem_size_0:
called_computation_lowered:
.L_overlay_start_0:
0x88: {  	s2 =	sld [smem:$0x3FD9]  }
0x89: {  	s3 =	sld [smem:$0x3FFE];
	_ =	sdelay $0x1  }
0x8a: {  	s1 =	srdreg.scid  }
0x8b: {  	s0 =	sand.u32 $0x1, s1  }
0x8c: {  	s17 =	sshll.u32 s0, $0xA;
	s2 =	sadd.s32 s3, s2  }
0x8d: {  	s2 =	sadd.s32 s2, s17  }
0x8e: {  	[smem:$0x3FC2] =	sst s2  }
0x8f: {  	_ = 	snop  }
0x90: {  	s2 =	sld [smem:$0x3FC7]  }
0x91: {  	s18 =	sld [smem:$0x3FD0];
	(tm) =	ssettm $0x1  }
0x92: {  	s4 =	sld [smem:$0x3FFB];
	_ =	sdelay $0x3  }
0x93: {  	_ =	strace s4  }
0x94: {  	s4 =	sld [smem:$0x3FFC];
	_ =	sdelay $0x3  }
0x95: {  	_ =	strace s4  }
0x96: {  	s4 =	sld [smem:$0x3FFD];
	_ =	sdelay $0x3  }
0x97: {  	_ =	strace s4  }
0x98: {  	_ =	strace $0x8FFFFFFF  }
0x99: {  	s19 =	sld [smem:$0x3FDB];
	_ =	sdelay $0x1  }
0x9a: {  	s5 =	simm.s32 $_scs_section_size  }
0x9b: {  	s6 =	simm.s32 $_size__tile_overlayer_lowered;
	s7 =	simm.s32 $_tile_overlayer_lowered  }
0x9c: {  	s22 =	simm.s32 $0x1BFF;
	s21 =	sshll.u32 s7, $0x1;
	s4 =	sadd.s32 s5, s19  }
0x9d: {  	s8 =	simm.s32 $0x0;
	s20 =	sshll.u32 s6, $0x1;
	s6 =	sadd.s32 s21, s4  }
0x9e: {  	[timem:s8], [sflag:s22] =	dma.local [hbm:s6], s20  }
0x9f: {  	_ =	swait.ge [sflag:s22], s20  }
0xa0: {  	s5 =	ssub.s32 $0x0, s20;
	[sflag:s22] =	ssyncset.done $0x0  }
0xa1: {  	[sflag:s22] =	ssyncadd.s32 s5;
	_ =	sdelay $0x1  }
0xa2: {  	s23 =	simm.s32 $0x1B8B  }
0xa3: {  	_ =	swait.ge [sflag:s23], $0x1  }
0xa4: {  	[sflag:s23] =	ssyncset.done $0x0  }
0xa5: {  	s25 =	simm.s32 $0x1B8E;
	s24 =	sld [smem:$0x3FFE];
	[sflag:s23] =	ssyncadd.s32 $0xFFFFFFFF  }
0xa6: {  	s26 =	simm.s32 $execute0_lowered;
	[smem:$0x3FD2] =	sst s25  }
0xa7: {  	s6 =	sshll.u32 s26, $0x1;
	_ =	strace $0x80000046;
	[dreg:$0x1] =	wrdreg $0xFFFFFFFF  }
0xa8: {  	s28 =	simm.s32 $_size_execute0_lowered;
	s4 =	sadd.s32 s4, s6;
	[dreg:$0x0] =	wrdreg $0x0  }
0xa9: {  	s6 =	sshll.u32 s28, $0x1;
	[dreg:$0x2] =	wrdreg s4  }
0xaa: {  	[dreg:$0x3] =	wrdreg s6  }
0xab: {  	[dreg:$0x4] =	wrdreg $0xC0  }
0xac: {  	_ =	task [dreg:s8], $0x5FFFF  }
0xad: {  	[dreg:$0x1] =	wrdreg $0xFFFFFFFF  }
0xae: {  	[dreg:$0x0] =	wrdreg $0x60  }
0xaf: {  	[dreg:$0x2] =	wrdreg s18  }
0xb0: {  	[dreg:$0x3] =	wrdreg s2  }
0xb1: {  	[dreg:$0x4] =	wrdreg s24  }
0xb2: {  	[dreg:$0x5] =	wrdreg $0x154000  }
0xb3: {  	[dreg:$0x6] =	wrdreg $0x9  }
0xb4: {  	_ =	task.clear_ibuf [dreg:s8], $0x7FFFF;
	_ =	strace $0x90000046  }
0xb5: {  	s29 =	simm.s32 $0x9;
	_ =	strace $0x80000048  }
0xb6: {  	_ =	swait.ge [sflag:s29], $0x1  }
0xb7: {  	[sflag:s29] =	ssyncadd.s32 $0xFFFFFFFF  }
0xb8: {  	_ =	strace $0x90000048  }
0xb9: {  	_ =	sfence  }
0xba: {  	s30 =	sld [smem:$0x0];
	_ =	sdelay $0x2  }
0xbb: {  	s31 =	sshll.u32 s1, $0xD;
	s1 =	sshrl.u32 s1, $0x2  }
0xbc: {  	s3 =	sand.u32 $0x4000, s31;
	s1 =	sadd.s32 s1, s30  }
0xbd: {  	s0 =	sor.u32 s3, s0;
	s1 =	sshll.u32 s1, $0x11  }
0xbe: {  	s0 =	sor.u32 s1, s0  }
0xbf: {  	s0 =	sadd.s32 $0x8F2B, s0  }
0xc0: {  	[sflag:s0] =	ssyncadd.remote.s32 $0x1  }
0xc1: {  	_ =	sfence.sel $0xFFFF  }
0xc2: {  	[dreg:$0x0] =	wrdreg $0xFFFFFFFF;
	(pc) =	sbr.abs _section_cstart, $3  }
0xc3: {  	[dreg:$0x1] =	wrdreg $0xFFFFFFFF  }
0xc4: {  	_ =	task.clear_ibuf [dreg:s8], $0x2FFFF;
	_ =	strace $0x9FFFFFFF  }
0xc5: {  	(tm) =	ssettm $0x7FFFFFFF  }
tec
execute0_lowered:
.L_overlay_start_1:
0x0: {  	(tag) =	ssettag $0x1  }
0x1: {  	s10 =	rddreg [dreg:$0x0]  }
0x2: {  	s11 =	rddreg [dreg:$0x1]  }
0x3: {  	s4 =	rddreg [dreg:$0x2]  }
0x4: {  	s2 =	rddreg [dreg:$0x3]  }
0x5: {  	s0 =	rddreg [dreg:$0x4]  }
0x6: {  	s1 =	stileid.u32;
	s5 =	srdreg.scid;
	s3 =	simm.s32 $0x0  }
0x7: {  	s17 =	simm.s32 $0x2;
	s18 =	simm.s32 $0x3;
	s19 =	simm.s32 $0x0  }
0x8: {  	s6 =	smul.u32 $0x2800, s1;
	s5 =	sand.u32 $0x1, s5;
	[smem:$0x7FF] =	sst s3  }
0x9: {  	s13 =	sshll.u32 s1, $0x1;
	s7 =	smul.u32 $0x28000, s5;
	_ =	strace $0x80000047  }
0xa: {  	s9 =	ssub.s32 $0x2, s5;
	s29 =	sor.u32 s5, s13;
	s5 =	sshll.u32 s1, $0x6  }
0xb: {  	s8 =	sshrl.u32 s6, $0x3;
	s12 =	sshrl.u32 s9, $0x1;
	s30 =	smul.u32 $0x2800, s29  }
0xc: {  	p0 =	seq.s32 s29, $0x1F;
	s31 =	smul.u32 $0x280, s29;
	s16 =	sadd.s32 s6, s2  }
0xd: {  	s8 =	sadd.s32 s8, s4;
	s7 =	sadd.s32 s6, s7;
	s15 =	ssub.s32 s9, s12  }
0xe: {  	s7 =	sshrl.u32 s7, $0x3;
	s6 =	sadd.s32 $0x1A00, s8;
	s8 =	sadd.s32 s10, s30  }
0xf: {  	s9 =	sadd.s32 s11, s31;
	s10 =	sadd.s32 $0x4D800, s10;
	s11 =	sadd.s32 $0x4D80, s11  }
0x10: {  	s13 =	smax.u32 s15, $0x1;
	s14 =	sadd.s32 s7, s4;
	s4 =	simm.s32 $0xA  }
0x11: {  	s15 =	simm.s32 $0x1;
	s7 =	sor.u32 $0x1C01, s5;
	s4 =	simm.s32 @!p0 $0x28  }
0x12: {  	s12 =	sadd.s32 $0x6A00, s14;
	s14 =	sshrl.u32 s16, $0x3;
	s16 =	simm.s32 $0x80  }
.LBB2_1:
0x13: {  	[spmem:s14], [sflag:s7] =	dma.local [hbm:s6], $0x500  }
0x14: {  	s20 =	simm.s32 @p0 $0x0  }
0x15: {  	[tilespmem:s20], [sflag:$0x1] =	stream.linear.gather @p0 [hbm4b:s10+s20], $0x5000, $0x38;
	[tilespmem:$0x17C00] =	vst v63  }
0x16: {  	s21 =	simm.s32 @p0 $0x14000  }
0x17: {  	[tilespmem:s21], [sflag:$0x1] =	stream.linear.gather @p0 [hbm4b:s11+s20], $0x500, $0x38;
	[tilespmem:$0x17C00] =	vst v63  }
0x18: {  	s20 =	simm.s32 @p0 $0x1  }
0x19: {  	_ =	swait.ge @p0 [sflag:s20], $0x5000  }
0x1a: {  	[sflag:s20] =	ssyncset.done @p0 $0x0  }
0x1b: {  	[sflag:s20] =	ssyncadd.s32 @p0 $0xFFFFB000  }
0x1c: {  	_ =	swait.ge @p0 [sflag:s20], $0x500  }
0x1d: {  	[sflag:s20] =	ssyncset.done @p0 $0x0  }
0x1e: {  	[sflag:s20] =	ssyncadd.s32 @p0 $0xFFFFFB00;
	s20 =	simm.s32 @!p0 $0x0  }
0x1f: {  	[tilespmem:s20], [sflag:$0x1] =	stream.linear.gather @!p0 [hbm4b:s8+s20], $0x14000, $0x38;
	[tilespmem:$0x17C00] =	vst v63  }
0x20: {  	s21 =	simm.s32 @!p0 $0x14000  }
0x21: {  	[tilespmem:s21], [sflag:$0x1] =	stream.linear.gather @!p0 [hbm4b:s9+s20], $0x1400, $0x38;
	[tilespmem:$0x17C00] =	vst v63  }
0x22: {  	s20 =	simm.s32 @!p0 $0x1  }
0x23: {  	_ =	swait.ge @!p0 [sflag:s20], $0x14000  }
0x24: {  	[sflag:s20] =	ssyncset.done @!p0 $0x0  }
0x25: {  	[sflag:s20] =	ssyncadd.s32 @!p0 $0xFFFEC000  }
0x26: {  	_ =	swait.ge @!p0 [sflag:s20], $0x1400  }
0x27: {  	[sflag:s20] =	ssyncset.done @!p0 $0x0  }
0x28: {  	p1 =	sne.s32 s4, $0x1;
	[sflag:s20] =	ssyncadd.s32 @!p0 $0xFFFFEC00  }
.Ltmp0:
0x29: {  	_ =	swait.ge [sflag:s15], $0x500;
	(pc) =	sbr.rel @!p1 .LBB2_3-.Ltmp0, $4  }
0x2a: {  	[sflag:s15] =	ssyncset.done $0x0  }
0x2b: {  	s22 =	simm.s32 $0x0;
	[sflag:s15] =	ssyncadd.s32 $0xFFFFFB00  }
0x2c: {  	s21 =	sadd.s32 $0xFFFFFFFF, s4;
	s20 =	simm.s32 $0x14000;
	[bflag:$0x0] =	sbarrier.arrive $0xFFFF  }
0x2d: {  	[spmem:s2] =	stream.indirect.scatter.add.f32 [tilespmem:s3], [sflag:$0x2], $0x10, s20, s16, $0xb8;
	[tilespmem:$0x17C00] =	vst v63  }
.LBB2_2:
0x2e: {  	p2 =	sne.s32 s21, $0x1  }
.Ltmp1:
0x2f: {  	_ = 	snop;
	(pc) =	sbr.rel @p2 .LBB2_2-.Ltmp1, $4  }
0x30: {  	_ = 	snop  }
0x31: {  	s20 =	sadd.s32 $0x80, s20;
	s22 =	sadd.s32 $0x800, s22  }
0x32: {  	s21 =	sadd.s32 $0xFFFFFFFF, s21  }
0x33: {  	[spmem:s2] =	stream.indirect.scatter.add.f32 [tilespmem:s22], [sflag:$0x2], $0x10, s20, s16, $0xb8;
	[tilespmem:$0x17C00] =	vst v63  }
.LBB2_3:
.Ltmp2:
0x34: {  	(pc) =	sbr.rel @!p1 .LBB2_5-.Ltmp2, $3  }
0x35: {  	_ =	sdelay $0x1  }
0x36: {  	_ =	swait.ge [sflag:s17], $0x800  }
0x37: {  	s20 =	sadd.s32 $0xFFFFFFFF, s4;
	[sflag:s17] =	ssyncset.done $0x0  }
.LBB2_4:
0x38: {  	p1 =	sne.s32 s20, $0x1;
	s20 =	sadd.s32 $0xFFFFFFFF, s20;
	[sflag:s17] =	ssyncadd.s32 $0xFFFFF800  }
.Ltmp3:
0x39: {  	(pc) =	sbr.rel @p1 .LBB2_4-.Ltmp3, $3  }
0x3a: {  	_ =	sdelay $0x1  }
0x3b: {  	_ =	swait.ge [sflag:s17], $0x800  }
0x3c: {  	[sflag:s17] =	ssyncset.done $0x0  }
.LBB2_5:
0x3d: {  	s19 =	sadd.s32 $0x1, s19  }
0x3e: {  	[sflag:s17] =	ssyncadd.s32 $0xFFFFF800;
	p1 =	sne.s32 s19, s13  }
.Ltmp4:
0x3f: {  	s20 =	sor.u32 $0x1C03, s5;
	[bflag:$0x0] =	sbarrier.arrive $0xFFFF;
	(pc) =	sbr.rel @p1 .LBB2_1-.Ltmp4, $4  }
0x40: {  	[hbm:s12], [sflag:s20] =	dma.local [spmem:s14], $0x500  }
0x41: {  	_ =	swait.ge [sflag:s18], $0x500  }
0x42: {  	[sflag:s18] =	ssyncset.done $0x0  }
0x43: {  	[sflag:s18] =	ssyncadd.s32 $0xFFFFFB00  }
0x44: {  	_ =	sfence.sel $0x180000  }
0x45: {  	[bflag:$0x0] =	sbarrier.arrive $0xFFFF  }
0x46: {  	p0 =	sne.s32 s1, $0x0;
	_ =	strace $0x90000047  }
0x47: {  	s0 =	sadd.s32 @!p0 $0x100000, s0;
	[bflag:$0x2] =	sbarrier.arrive $0xFFFF  }
0x48: {  	[sflag:s0] =	ssyncadd.tile.s32 @!p0 $0x1;
	_ =	shalt  }
.Lfunc_end2:
_tile_overlayer_lowered:
.L_overlay_start_2:
0x49: {  	(tag) =	ssettag $0x2  }
0x4a: {  	s0 =	rddreg [dreg:$0x0];
	s2 =	stileid.u32  }
0x4b: {  	s1 =	rddreg [dreg:$0x1];
	p0 =	sne.s32 s2, $0x0  }
0x4c: {  	s3 =	rddreg [dreg:$0x2];
	[bflag:$0x3] =	sbarrier.arrive $0xFFFF;
	s2 =	simm.s32 @!p0 $0x1C03  }
0x4d: {  	[timem:s3], [sflag:s2] =	dma.local @!p0 [hbm:s0], s1  }
0x4e: {  	s0 =	simm.s32 @!p0 $0x3  }
0x4f: {  	_ =	swait.ge @!p0 [sflag:s0], s1  }
0x50: {  	s1 =	ssub.s32 @!p0 $0x0, s1;
	[sflag:s0] =	ssyncset.done @!p0 $0x0  }
0x51: {  	[sflag:s0] =	ssyncadd.s32 @!p0 s1  }
0x52: {  	[bflag:$0x3] =	sbarrier.arrive $0xFFFF  }
0x53: {  	_ =	shalt  }

</sc_bundles>
